<compile_context>
chip_gen: v7x
topology: tpu7x:2x2x1
jax: 0.10.2.dev20260603
libtpu: 0.0.44.dev20260713+nightly
codegen_flags: <defaults>
</compile_context>

<pallas_src>
import functools
import jax
import jax.numpy as jnp
from jax import lax
from jax.experimental import pallas as pl
from jax.experimental.pallas import tpu as pltpu
from jax.experimental.pallas import tpu_sc as plsc

_VOCAB = 6
_NAUX = 10
_H = 768
_R = 64


def kernel(input_ids, aux_features):
    B, S = input_ids.shape
    N = B * S
    info = plsc.get_sparse_core_info()
    NC, NS = info.num_cores, info.num_subcores
    NW = NC * NS
    rows_per_w = N // NW
    n_chunks = rows_per_w // _R

    ids = input_ids.reshape(N).astype(jnp.int32)
    aux = aux_features.reshape(N * _NAUX)

    mesh = plsc.VectorSubcoreMesh(core_axis_name="c", subcore_axis_name="s")

    @functools.partial(
        pl.kernel, mesh=mesh,
        out_type=jax.ShapeDtypeStruct((N, _H), jnp.float32),
        compiler_params=pltpu.CompilerParams(needs_layout_passes=False),
        scratch_types=[
            pltpu.VMEM((_R, _H), jnp.float32),
            pltpu.VMEM((_R,), jnp.int32),
            pltpu.VMEM((_R * _NAUX,), jnp.float32),
        ],
    )
    def sc_k(ids_hbm, aux_hbm, out_hbm, rows_v, ids_v, aux_v):
        wid = lax.axis_index("s") * NC + lax.axis_index("c")
        base_w = wid * rows_per_w

        zeros16 = jnp.zeros((16,), jnp.float32)
        ones16 = jnp.full((16,), 1.0, jnp.float32)

        def zrow(r, carry):
            def zcol(c, carry2):
                rows_v[r, pl.ds(c * 16, 16)] = zeros16
                return carry2
            return lax.fori_loop(0, _H // 16, zcol, carry)
        lax.fori_loop(0, _R, zrow, 0)

        def chunk_body(k, carry):
            base = base_w + k * _R
            pltpu.sync_copy(ids_hbm.at[pl.ds(base, _R)], ids_v)
            pltpu.sync_copy(aux_hbm.at[pl.ds(base * _NAUX, _R * _NAUX)], aux_v)

            def set_aux(g, carry2):
                q = g * 16 + lax.iota(jnp.int32, 16)
                r = q // _NAUX
                c = _VOCAB + (q - r * _NAUX)
                vals = aux_v[pl.ds(g * 16, 16)]
                plsc.store_scatter(rows_v, [r, c], vals)
                return carry2
            lax.fori_loop(0, _R * _NAUX // 16, set_aux, 0)

            def set_ones(g, carry2):
                row16 = g * 16 + lax.iota(jnp.int32, 16)
                idv = ids_v[pl.ds(g * 16, 16)]
                plsc.store_scatter(rows_v, [row16, idv], ones16)
                return carry2
            lax.fori_loop(0, _R // 16, set_ones, 0)

            pltpu.sync_copy(rows_v, out_hbm.at[pl.ds(base, _R), :])

            def set_zeros(g, carry2):
                row16 = g * 16 + lax.iota(jnp.int32, 16)
                idv = ids_v[pl.ds(g * 16, 16)]
                plsc.store_scatter(rows_v, [row16, idv], zeros16)
                return carry2
            lax.fori_loop(0, _R // 16, set_zeros, 0)
            return carry
        lax.fori_loop(0, n_chunks, chunk_body, 0)

    out = sc_k(ids, aux)
    return out.reshape(B, S, _H)

# --- scband reference (transcript-rebuilt; emitter-appended) ---
"""Pipeline reference for scband-gpnembedding-85968065396823 (READ-ONLY COPY).

The authoritative reference and input builder live on the scoring server;
editing this copy changes nothing except your own understanding.
"""

import jax, jax.numpy as jnp
import numpy as np

VOCAB_SIZE = 6
N_AUX_FEATURES = 10
HIDDEN_SIZE = 768


def setup_inputs(seed: int = 0) -> dict:
    key = jax.random.key(seed)
    k1, k2 = jax.random.split(key)
    input_ids = jax.random.randint(k1, (4, 8192), 0, VOCAB_SIZE, dtype=jnp.int64 if jax.config.read('jax_enable_x64') else jnp.int32)
    aux_features = jax.random.normal(k2, (4, 8192, N_AUX_FEATURES), dtype=jnp.float32)
    return {"input_ids": input_ids, "aux_features": aux_features}


def reference(input_ids, aux_features):
    # F.one_hot(input_ids, num_classes=hidden_size).float()
    res = jax.nn.one_hot(input_ids, HIDDEN_SIZE, dtype=jnp.float32)
    # res[:, :, vocab_size:vocab_size+n_aux_features] = aux_features
    res = res.at[:, :, VOCAB_SIZE:VOCAB_SIZE + N_AUX_FEATURES].set(aux_features)
    return res

if __name__ == "__main__":
    import jax
    _d = setup_inputs()
    print(jax.jit(kernel)(*tuple(_d.values())))

</pallas_src>

<mosaic_0001>
#map = affine_map<(d0, d1) -> (0)>
#map1 = affine_map<(d0, d1) -> (0, 0)>
module attributes {stable_mosaic.version = 14 : i64} {
  func.func @sc_k(%arg0: i32, %arg1: i32, %arg2: memref<32768xi32, #tpu.memory_space<hbm>>, %arg3: memref<327680xf32, #tpu.memory_space<hbm>>, %arg4: memref<32768x768xf32, #tpu.memory_space<hbm>>, %arg5: memref<64x768xf32, #tpu.memory_space<vmem>>, %arg6: memref<64xi32, #tpu.memory_space<vmem>>, %arg7: memref<640xf32, #tpu.memory_space<vmem>>) attributes {dimension_semantics = [#tpu.dimension_semantics<core_parallel>, #tpu.dimension_semantics<subcore_parallel>], iteration_bounds = array<i64: 2, 16>, scalar_prefetch = 0 : i64, scratch_operands = 3 : i64, tpu.core_type = #tpu.core_type<sc_vector_subcore>, window_params = [{transform_indices = #map}, {transform_indices = #map}, {transform_indices = #map1}]} {
    %mul3A = arith.constant 2 : i32
    %mul3A_0 = arith.muli %arg1, %mul3A : i32
    %add3A = arith.addi %mul3A_0, %arg0 : i32
    %mul3A_1 = arith.constant 1024 : i32
    %mul3A_2 = arith.muli %add3A, %mul3A_1 : i32
    %broadcast_in_dim3A = arith.constant 0.000000e+00 : f32
    %broadcast_in_dim3A_3 = vector.broadcast %broadcast_in_dim3A : f32 to vector<16xf32>
    %broadcast_in_dim3A_4 = arith.constant 1.000000e+00 : f32
    %broadcast_in_dim3A_5 = vector.broadcast %broadcast_in_dim3A_4 : f32 to vector<16xf32>
    %scan3A = arith.constant 0 : i32
    %scan3A_6 = arith.constant 0 : i32
    %scan3A_7 = arith.constant 64 : i32
    %scan3A_8 = arith.addi %scan3A_6, %scan3A_7 : i32
    %scan3A_9 = arith.constant 1 : i32
    scf.for %scan3A_17 = %scan3A_6 to %scan3A_8 step %scan3A_9  : i32 {
      %scan3A_18 = arith.constant 0 : i32
      %scan3A_19 = arith.constant 48 : i32
      %scan3A_20 = arith.addi %scan3A_18, %scan3A_19 : i32
      %scan3A_21 = arith.constant 1 : i32
      scf.for %scan3A_23 = %scan3A_18 to %scan3A_20 step %scan3A_21  : i32 {
        %mul3A_24 = arith.constant 16 : i32
        %mul3A_25 = arith.muli %scan3A_23, %mul3A_24 : i32
        %swap3A = arith.index_cast %scan3A_17 : i32 to index
        %swap3A_26 = arith.index_cast %mul3A_25 : i32 to index
        %swap3A_27 = tpu.vector_load %arg5[%swap3A, %swap3A_26] {strides = array<i32>} : memref<64x768xf32, #tpu.memory_space<vmem>>, vector<16xf32>,
        tpu.vector_store %arg5[%swap3A, %swap3A_26], %broadcast_in_dim3A_3 {strides = array<i32>} : memref<64x768xf32, #tpu.memory_space<vmem>>, vector<16xf32>,
      }
      %scan3A_22 = arith.constant 48 : i32
    }
    %scan3A_10 = arith.constant 64 : i32
    %scan3A_11 = arith.constant 0 : i32
    %scan3A_12 = arith.constant 0 : i32
    %scan3A_13 = arith.constant 16 : i32
    %scan3A_14 = arith.addi %scan3A_12, %scan3A_13 : i32
    %scan3A_15 = arith.constant 1 : i32
    scf.for %scan3A_17 = %scan3A_12 to %scan3A_14 step %scan3A_15  : i32 {
      %mul3A_18 = arith.constant 64 : i32
      %mul3A_19 = arith.muli %scan3A_17, %mul3A_18 : i32
      %add3A_20 = arith.addi %mul3A_2, %mul3A_19 : i32
      "tpu.region"() ({
        %run_scoped3A = tpu.sem_alloc : memref<!tpu.dma_semaphore, #tpu.memory_space<semaphore_mem>>
        %dma_start3A = tpu.memref_slice %arg2[%add3A_20] : memref<32768xi32, #tpu.memory_space<hbm>> -> memref<64xi32, #tpu.memory_space<hbm>>
        %dma_start3A_41 = tpu.memref_slice %arg2[%add3A_20] : memref<32768xi32, #tpu.memory_space<hbm>> -> memref<64xi32, #tpu.memory_space<hbm>>
        tpu.enqueue_dma source(%dma_start3A_41 : memref<64xi32, #tpu.memory_space<hbm>>) target(%arg6 : memref<64xi32, #tpu.memory_space<vmem>>) target_semaphore(%run_scoped3A : memref<!tpu.dma_semaphore, #tpu.memory_space<semaphore_mem>>)
        %dma_wait3A = tpu.memref_slice %arg2[%add3A_20] : memref<32768xi32, #tpu.memory_space<hbm>> -> memref<64xi32, #tpu.memory_space<hbm>>
        %dma_wait3A_42 = tpu.memref_slice %arg2[%add3A_20] : memref<32768xi32, #tpu.memory_space<hbm>> -> memref<64xi32, #tpu.memory_space<hbm>>
        tpu.wait_dma2 semaphore(%run_scoped3A : memref<!tpu.dma_semaphore, #tpu.memory_space<semaphore_mem>>) src(%dma_wait3A_42 : memref<64xi32, #tpu.memory_space<hbm>>) dst(%arg6 : memref<64xi32, #tpu.memory_space<vmem>>)
        tpu.yield
      }) : () -> ()
      %mul3A_21 = arith.constant 10 : i32
      %mul3A_22 = arith.muli %add3A_20, %mul3A_21 : i32
      "tpu.region"() ({
        %run_scoped3A = tpu.sem_alloc : memref<!tpu.dma_semaphore, #tpu.memory_space<semaphore_mem>>
        %dma_start3A = tpu.memref_slice %arg3[%mul3A_22] : memref<327680xf32, #tpu.memory_space<hbm>> -> memref<640xf32, #tpu.memory_space<hbm>>
        %dma_start3A_41 = tpu.memref_slice %arg3[%mul3A_22] : memref<327680xf32, #tpu.memory_space<hbm>> -> memref<640xf32, #tpu.memory_space<hbm>>
        tpu.enqueue_dma source(%dma_start3A_41 : memref<640xf32, #tpu.memory_space<hbm>>) target(%arg7 : memref<640xf32, #tpu.memory_space<vmem>>) target_semaphore(%run_scoped3A : memref<!tpu.dma_semaphore, #tpu.memory_space<semaphore_mem>>)
        %dma_wait3A = tpu.memref_slice %arg3[%mul3A_22] : memref<327680xf32, #tpu.memory_space<hbm>> -> memref<640xf32, #tpu.memory_space<hbm>>
        %dma_wait3A_42 = tpu.memref_slice %arg3[%mul3A_22] : memref<327680xf32, #tpu.memory_space<hbm>> -> memref<640xf32, #tpu.memory_space<hbm>>
        tpu.wait_dma2 semaphore(%run_scoped3A : memref<!tpu.dma_semaphore, #tpu.memory_space<semaphore_mem>>) src(%dma_wait3A_42 : memref<640xf32, #tpu.memory_space<hbm>>) dst(%arg7 : memref<640xf32, #tpu.memory_space<vmem>>)
        tpu.yield
      }) : () -> ()
      %scan3A_23 = arith.constant 0 : i32
      %scan3A_24 = arith.constant 0 : i32
      %scan3A_25 = arith.constant 40 : i32
      %scan3A_26 = arith.addi %scan3A_24, %scan3A_25 : i32
      %scan3A_27 = arith.constant 1 : i32
      scf.for %scan3A_41 = %scan3A_24 to %scan3A_26 step %scan3A_27  : i32 {
        %mul3A_42 = arith.constant 16 : i32
        %mul3A_43 = arith.muli %scan3A_41, %mul3A_42 : i32
        %iota3A = tpu.iota {dimensions = array<i32: 0>} : vector<16xi32>
        %add3A_44 = vector.broadcast %mul3A_43 : i32 to vector<16xi32>
        %add3A_45 = arith.addi %add3A_44, %iota3A : vector<16xi32>
        %jit3A = arith.constant 10 : i32
        %div3A = vector.broadcast %jit3A : i32 to vector<16xi32>
        %div3A_46 = arith.divsi %add3A_45, %div3A : vector<16xi32>
        %sign3A = arith.constant 0 : i32
        %sign3A_47 = vector.broadcast %sign3A : i32 to vector<16xi32>
        %sign3A_48 = arith.cmpi sgt, %add3A_45, %sign3A_47 : vector<16xi32>
        %sign3A_49 = arith.extui %sign3A_48 : vector<16xi1> to vector<16xi32>
        %sign3A_50 = arith.constant 0 : i32
        %sign3A_51 = vector.broadcast %sign3A_50 : i32 to vector<16xi32>
        %sign3A_52 = arith.cmpi slt, %add3A_45, %sign3A_51 : vector<16xi32>
        %sign3A_53 = arith.extui %sign3A_52 : vector<16xi1> to vector<16xi32>
        %sign3A_54 = arith.subi %sign3A_49, %sign3A_53 : vector<16xi32>
        %sign3A_55 = arith.constant 0 : i32
        %sign3A_56 = arith.cmpi sgt, %jit3A, %sign3A_55 : i32
        %sign3A_57 = arith.extui %sign3A_56 : i1 to i32
        %sign3A_58 = arith.constant 0 : i32
        %sign3A_59 = arith.cmpi slt, %jit3A, %sign3A_58 : i32
        %sign3A_60 = arith.extui %sign3A_59 : i1 to i32
        %sign3A_61 = arith.subi %sign3A_57, %sign3A_60 : i32
        %ne3A = vector.broadcast %sign3A_61 : i32 to vector<16xi32>
        %ne3A_62 = arith.cmpi ne, %sign3A_54, %ne3A : vector<16xi32>
        %rem3A = vector.broadcast %jit3A : i32 to vector<16xi32>
        %rem3A_63 = arith.remsi %add3A_45, %rem3A : vector<16xi32>
        %ne3A_64 = arith.constant 0 : i32
        %ne3A_65 = vector.broadcast %ne3A_64 : i32 to vector<16xi32>
        %ne3A_66 = arith.cmpi ne, %rem3A_63, %ne3A_65 : vector<16xi32>
        %and3A = arith.andi %ne3A_62, %ne3A_66 : vector<16xi1>
        %sub3A = arith.constant 1 : i32
        %sub3A_67 = vector.broadcast %sub3A : i32 to vector<16xi32>
        %sub3A_68 = arith.subi %div3A_46, %sub3A_67 : vector<16xi32>
        %select_n3A = arith.select %and3A, %sub3A_68, %div3A_46 : vector<16xi1>, vector<16xi32>
        %mul3A_69 = arith.constant 10 : i32
        %mul3A_70 = vector.broadcast %mul3A_69 : i32 to vector<16xi32>
        %mul3A_71 = arith.muli %select_n3A, %mul3A_70 : vector<16xi32>
        %sub3A_72 = arith.subi %add3A_45, %mul3A_71 : vector<16xi32>
        %add3A_73 = arith.constant 6 : i32
        %add3A_74 = vector.broadcast %add3A_73 : i32 to vector<16xi32>
        %add3A_75 = arith.addi %add3A_74, %sub3A_72 : vector<16xi32>
        %mul3A_76 = arith.constant 16 : i32
        %mul3A_77 = arith.muli %scan3A_41, %mul3A_76 : i32
        %get3A = arith.index_cast %mul3A_77 : i32 to index
        %get3A_78 = tpu.vector_load %arg7[%get3A] {strides = array<i32>} : memref<640xf32, #tpu.memory_space<vmem>>, vector<16xf32>,
        tpu.vector_store_idx %arg5[%select_n3A, %add3A_75], %get3A_78 : memref<64x768xf32, #tpu.memory_space<vmem>>[vector<16xi32>, vector<16xi32>], vector<16xf32>,
      }
      %scan3A_28 = arith.constant 40 : i32
      %scan3A_29 = arith.constant 0 : i32
      %scan3A_30 = arith.constant 0 : i32
      %scan3A_31 = arith.constant 4 : i32
      %scan3A_32 = arith.addi %scan3A_30, %scan3A_31 : i32
      %scan3A_33 = arith.constant 1 : i32
      scf.for %scan3A_41 = %scan3A_30 to %scan3A_32 step %scan3A_33  : i32 {
        %mul3A_42 = arith.constant 16 : i32
        %mul3A_43 = arith.muli %scan3A_41, %mul3A_42 : i32
        %iota3A = tpu.iota {dimensions = array<i32: 0>} : vector<16xi32>
        %add3A_44 = vector.broadcast %mul3A_43 : i32 to vector<16xi32>
        %add3A_45 = arith.addi %add3A_44, %iota3A : vector<16xi32>
        %mul3A_46 = arith.constant 16 : i32
        %mul3A_47 = arith.muli %scan3A_41, %mul3A_46 : i32
        %get3A = arith.index_cast %mul3A_47 : i32 to index
        %get3A_48 = tpu.vector_load %arg6[%get3A] {strides = array<i32>} : memref<64xi32, #tpu.memory_space<vmem>>, vector<16xi32>,
        tpu.vector_store_idx %arg5[%add3A_45, %get3A_48], %broadcast_in_dim3A_5 : memref<64x768xf32, #tpu.memory_space<vmem>>[vector<16xi32>, vector<16xi32>], vector<16xf32>,
      }
      %scan3A_34 = arith.constant 4 : i32
      "tpu.region"() ({
        %run_scoped3A = tpu.sem_alloc : memref<!tpu.dma_semaphore, #tpu.memory_space<semaphore_mem>>
        %dma_start3A = arith.constant 0 : i32
        %dma_start3A_41 = tpu.memref_slice %arg4[%add3A_20, %dma_start3A] : memref<32768x768xf32, #tpu.memory_space<hbm>> -> memref<64x768xf32, #tpu.memory_space<hbm>>
        %dma_start3A_42 = arith.constant 0 : i32
        %dma_start3A_43 = tpu.memref_slice %arg4[%add3A_20, %dma_start3A_42] : memref<32768x768xf32, #tpu.memory_space<hbm>> -> memref<64x768xf32, #tpu.memory_space<hbm>>
        tpu.enqueue_dma source(%arg5 : memref<64x768xf32, #tpu.memory_space<vmem>>) target(%dma_start3A_43 : memref<64x768xf32, #tpu.memory_space<hbm>>) target_semaphore(%run_scoped3A : memref<!tpu.dma_semaphore, #tpu.memory_space<semaphore_mem>>)
        %dma_wait3A = arith.constant 0 : i32
        %dma_wait3A_44 = tpu.memref_slice %arg4[%add3A_20, %dma_wait3A] : memref<32768x768xf32, #tpu.memory_space<hbm>> -> memref<64x768xf32, #tpu.memory_space<hbm>>
        %dma_wait3A_45 = arith.constant 0 : i32
        %dma_wait3A_46 = tpu.memref_slice %arg4[%add3A_20, %dma_wait3A_45] : memref<32768x768xf32, #tpu.memory_space<hbm>> -> memref<64x768xf32, #tpu.memory_space<hbm>>
        tpu.wait_dma2 semaphore(%run_scoped3A : memref<!tpu.dma_semaphore, #tpu.memory_space<semaphore_mem>>) src(%arg5 : memref<64x768xf32, #tpu.memory_space<vmem>>) dst(%dma_wait3A_46 : memref<64x768xf32, #tpu.memory_space<hbm>>)
        tpu.yield
      }) : () -> ()
      %scan3A_35 = arith.constant 0 : i32
      %scan3A_36 = arith.constant 0 : i32
      %scan3A_37 = arith.constant 4 : i32
      %scan3A_38 = arith.addi %scan3A_36, %scan3A_37 : i32
      %scan3A_39 = arith.constant 1 : i32
      scf.for %scan3A_41 = %scan3A_36 to %scan3A_38 step %scan3A_39  : i32 {
        %mul3A_42 = arith.constant 16 : i32
        %mul3A_43 = arith.muli %scan3A_41, %mul3A_42 : i32
        %iota3A = tpu.iota {dimensions = array<i32: 0>} : vector<16xi32>
        %add3A_44 = vector.broadcast %mul3A_43 : i32 to vector<16xi32>
        %add3A_45 = arith.addi %add3A_44, %iota3A : vector<16xi32>
        %mul3A_46 = arith.constant 16 : i32
        %mul3A_47 = arith.muli %scan3A_41, %mul3A_46 : i32
        %get3A = arith.index_cast %mul3A_47 : i32 to index
        %get3A_48 = tpu.vector_load %arg6[%get3A] {strides = array<i32>} : memref<64xi32, #tpu.memory_space<vmem>>, vector<16xi32>,
        tpu.vector_store_idx %arg5[%add3A_45, %get3A_48], %broadcast_in_dim3A_3 : memref<64x768xf32, #tpu.memory_space<vmem>>[vector<16xi32>, vector<16xi32>], vector<16xf32>,
      }
      %scan3A_40 = arith.constant 4 : i32
    }
    %scan3A_16 = arith.constant 16 : i32
    return
  }
}

</mosaic_0001>

<sc_bundles>
// kernel: kernel.3.cloned.1.call-start
scs
__scs_entry_jumppad:
0x0: {  	(pc) =	sbr.rel $0x88, $3  }
0x1: {  	(tag) =	ssettag $0x0;
	lr =	simm.s32 $0x1  }
0x2: {  	[smem:$0x3F9F] =	sst lr;
	_ =	strace $0xD0000000  }
0x3: {  	_ = 	snop  }
0x4: {  	_ = 	snop  }
0x5: {  	_ = 	snop  }
0x6: {  	_ = 	snop  }
0x7: {  	_ = 	snop  }
__scs_overlays_trampoline_lowered:
0x8: {  	[smem:$0x3FAE] =	sst s0  }
0x9: {  	[smem:$0x3FAF] =	sst s1  }
0xa: {  	[smem:$0x3FB0] =	sst s2  }
0xb: {  	[smem:$0x3FB1] =	sst s3  }
0xc: {  	[smem:$0x3FB2] =	sst s4  }
0xd: {  	[smem:$0x3FB3] =	sst s5  }
0xe: {  	[smem:$0x3FB4] =	sst s6  }
0xf: {  	[smem:$0x3FB5] =	sst s7  }
0x10: {  	[smem:$0x3FB6] =	sst s8  }
0x11: {  	[smem:$0x3FB7] =	sst s9;
	s0 =	simm.s32 @!p0 $0x0  }
0x12: {  	s1 =	sld [smem:$0x3F9D];
	s0 =	simm.s32 @p0 $0x1  }
0x13: {  	[smem:$0x3FB8] =	sst s0;
	s0 =	simm.s32 @!p1 $0x0  }
0x14: {  	s2 =	sld [smem:$0x3F9C];
	s0 =	simm.s32 @p1 $0x1  }
0x15: {  	[smem:$0x3FB9] =	sst s0;
	s0 =	simm.s32 @!p2 $0x0  }
0x16: {  	s3 =	sld [smem:$0x3FDB];
	s0 =	simm.s32 @p2 $0x1  }
0x17: {  	s4 =	simm.s32 $0x1BF5;
	[smem:$0x3FBB] =	sst s0  }
0x18: {  	s0 =	sld [smem:$0x3F9E];
	_ =	swait.ge [sflag:s4], $0x0  }
0x19: {  	s7 =	sld [smem:$0x3F9F]  }
0x1a: {  	s8 =	sadd.s32 $0xFFFFE003, lr  }
0x1b: {  	s9 =	sadd.s32 $0xFFFFFEF7, lr;
	s5 =	simm.s32 $0xFFFFFFFF;
	p2 =	slt.u32 s8, $0xFFFFF086  }
0x1c: {  	p1 =	slt.u32 s9, $0xF7A;
	s5 =	simm.s32 @!p2 $0x0  }
0x1d: {  	s5 =	simm.s32 @p1 $0x1;
	p0 =	seq.s32 s7, s2  }
0x1e: {  	s7 =	smul.u32 @!p0 $0xF7A, s2;
	p2 =	seq.s32 @!p0 s5, $0x0  }
0x1f: {  	s9 =	smul.u32 $0xF7A, s1;
	s8 =	simm.s32 @!p0 $0x1BF5;
	p2 =	por !p2, p0  }
0x20: {  	[sflag:s8] =	ssyncset.s32 @!p0 $0xFFFFF086;
	s6 =	sadd.s32 @!p0 s3, s7;
	s7 =	simm.s32 @!p0 $0x108  }
0x21: {  	s3 =	sadd.s32 s3, s9;
	s6 =	sadd.s32 @!p0 $0x88, s6;
	s7 =	simm.s32 @p2 $0x1082  }
0x22: {  	[simem:s7], [sflag:s8] =	dma.local @!p0 [hbm:s6], $0xF7A  }
0x23: {  	s9 =	sor.u32 $0xD0000000, s2;
	s6 =	simm.s32 $0x108;
	_ =	swait.ge @!p0 [sflag:s8], $0x0  }
0x24: {  	s3 =	sadd.s32 $0x88, s3;
	s6 =	simm.s32 @!p1 $0x1082;
	[sflag:s4] =	ssyncset.s32 $0xFFFFF086  }
0x25: {  	[simem:s6], [sflag:s4] =	dma.local [hbm:s3], $0xF7A  }
0x26: {  	[smem:$0x3F9F] =	sst s1;
	(tag) =	ssettag s2;
	_ =	strace s9  }
0x27: {  	s1 =	sld [smem:$0x3FAF]  }
0x28: {  	s2 =	sld [smem:$0x3FB0]  }
0x29: {  	s4 =	sld [smem:$0x3FB2]  }
0x2a: {  	p0 =	seq.s32 s5, $0x0;
	s5 =	sld [smem:$0x3FB3]  }
0x2b: {  	s6 =	sld [smem:$0x3FB4]  }
0x2c: {  	s7 =	sld [smem:$0x3FB5]  }
0x2d: {  	s3 =	simm.s32 $0x108;
	s8 =	sld [smem:$0x3FB6]  }
0x2e: {  	s3 =	simm.s32 @!p0 $0x1082;
	s9 =	sld [smem:$0x3FB7]  }
0x2f: {  	lr =	sadd.s32 s0, s3;
	s0 =	sld [smem:$0x3FAE]  }
0x30: {  	s3 =	sld [smem:$0x3FB1]  }
0x31: {  	[smem:$0x3FBA] =	sst s10  }
0x32: {  	s10 =	sld [smem:$0x3FB8];
	_ =	sdelay $0x3  }
0x33: {  	p0 =	seq.s32 s10, $0x1;
	s10 =	sld [smem:$0x3FBA];
	_ =	sdelay $0x3  }
0x34: {  	[smem:$0x3FBA] =	sst s10  }
0x35: {  	s10 =	sld [smem:$0x3FB9];
	_ =	sdelay $0x3  }
0x36: {  	p1 =	seq.s32 s10, $0x1;
	s10 =	sld [smem:$0x3FBA];
	_ =	sdelay $0x3  }
0x37: {  	[smem:$0x3FBA] =	sst s10  }
0x38: {  	s10 =	sld [smem:$0x3FBB]  }
0x39: {  	_ = 	snop;
	(pc) =	sbr.ind lr, $3  }
0x3a: {  	_ = 	snop  }
0x3b: {  	_ = 	snop  }
0x3c: {  	p2 =	seq.s32 s10, $0x1;
	s10 =	sld [smem:$0x3FBA]  }
0x3d: {  	_ =	shalt  }
0x3e: {  	_ =	shalt  }
0x3f: {  	_ =	shalt  }
0x40: {  	_ =	shalt  }
0x41: {  	_ =	shalt  }
0x42: {  	_ =	shalt  }
0x43: {  	_ =	shalt  }
0x44: {  	_ =	shalt  }
0x45: {  	_ =	shalt  }
0x46: {  	_ =	shalt  }
0x47: {  	_ =	shalt  }
0x48: {  	_ =	shalt  }
0x49: {  	_ =	shalt  }
0x4a: {  	_ =	shalt  }
0x4b: {  	_ =	shalt  }
0x4c: {  	_ =	shalt  }
0x4d: {  	_ =	shalt  }
0x4e: {  	_ =	shalt  }
0x4f: {  	_ =	shalt  }
0x50: {  	_ =	shalt  }
0x51: {  	_ =	shalt  }
0x52: {  	_ =	shalt  }
0x53: {  	_ =	shalt  }
0x54: {  	_ =	shalt  }
0x55: {  	_ =	shalt  }
0x56: {  	_ =	shalt  }
0x57: {  	_ =	shalt  }
0x58: {  	_ =	shalt  }
0x59: {  	_ =	shalt  }
0x5a: {  	_ =	shalt  }
0x5b: {  	_ =	shalt  }
0x5c: {  	_ =	shalt  }
0x5d: {  	_ =	shalt  }
0x5e: {  	_ =	shalt  }
0x5f: {  	_ =	shalt  }
0x60: {  	_ =	shalt  }
0x61: {  	_ =	shalt  }
0x62: {  	_ =	shalt  }
0x63: {  	_ =	shalt  }
0x64: {  	_ =	shalt  }
0x65: {  	_ =	shalt  }
0x66: {  	_ =	shalt  }
0x67: {  	_ =	shalt  }
0x68: {  	_ =	shalt  }
0x69: {  	_ =	shalt  }
0x6a: {  	_ =	shalt  }
0x6b: {  	_ =	shalt  }
0x6c: {  	_ =	shalt  }
0x6d: {  	_ =	shalt  }
0x6e: {  	_ =	shalt  }
0x6f: {  	_ =	shalt  }
0x70: {  	_ =	shalt  }
0x71: {  	_ =	shalt  }
0x72: {  	_ =	shalt  }
0x73: {  	_ =	shalt  }
0x74: {  	_ =	shalt  }
0x75: {  	_ =	shalt  }
0x76: {  	_ =	shalt  }
0x77: {  	_ =	shalt  }
0x78: {  	_ =	shalt  }
0x79: {  	_ =	shalt  }
0x7a: {  	_ =	shalt  }
0x7b: {  	_ =	shalt  }
0x7c: {  	_ =	shalt  }
0x7d: {  	_ =	shalt  }
0x7e: {  	_ =	shalt  }
0x7f: {  	_ =	shalt  }
0x80: {  	_ =	shalt  }
0x81: {  	_ =	shalt  }
0x82: {  	_ =	shalt  }
0x83: {  	_ =	shalt  }
0x84: {  	_ =	shalt  }
0x85: {  	_ =	shalt  }
0x86: {  	_ =	shalt  }
0x87: {  	_ =	shalt  }
.Lfunc_end0:
.L_simem_size_0:
called_computation_lowered:
.L_overlay_start_0:
0x88: {  	s2 =	sld [smem:$0x3FD9]  }
0x89: {  	s3 =	sld [smem:$0x3FFE];
	_ =	sdelay $0x1  }
0x8a: {  	s1 =	srdreg.scid  }
0x8b: {  	s0 =	sand.u32 $0x1, s1  }
0x8c: {  	s17 =	sshll.u32 s0, $0xA;
	s2 =	sadd.s32 s3, s2  }
0x8d: {  	s2 =	sadd.s32 s2, s17  }
0x8e: {  	[smem:$0x3FC6] =	sst s2  }
0x8f: {  	_ = 	snop  }
0x90: {  	s2 =	sld [smem:$0x3FD0];
	(tm) =	ssettm $0x1  }
0x91: {  	s18 =	sld [smem:$0x3FFB];
	_ =	sdelay $0x3  }
0x92: {  	_ =	strace s18  }
0x93: {  	s3 =	sld [smem:$0x3FFC];
	_ =	sdelay $0x3  }
0x94: {  	_ =	strace s3  }
0x95: {  	s3 =	sld [smem:$0x3FFD];
	_ =	sdelay $0x3  }
0x96: {  	_ =	strace s3  }
0x97: {  	_ =	strace $0x8FFFFFFF  }
0x98: {  	s19 =	sld [smem:$0x3FDB];
	_ =	sdelay $0x1  }
0x99: {  	s4 =	simm.s32 $_scs_section_size  }
0x9a: {  	s5 =	simm.s32 $_size__tile_overlayer_lowered;
	s6 =	simm.s32 $_tile_overlayer_lowered  }
0x9b: {  	s22 =	simm.s32 $0x1BFF;
	s21 =	sshll.u32 s6, $0x1;
	s3 =	sadd.s32 s4, s19  }
0x9c: {  	s7 =	simm.s32 $0x0;
	s20 =	sshll.u32 s5, $0x1;
	s5 =	sadd.s32 s21, s3  }
0x9d: {  	[timem:s7], [sflag:s22] =	dma.local [hbm:s5], s20  }
0x9e: {  	_ =	swait.ge [sflag:s22], s20  }
0x9f: {  	s4 =	ssub.s32 $0x0, s20;
	[sflag:s22] =	ssyncset.done $0x0  }
0xa0: {  	[sflag:s22] =	ssyncadd.s32 s4;
	_ =	sdelay $0x1  }
0xa1: {  	s23 =	simm.s32 $0x1B8B  }
0xa2: {  	_ =	swait.ge [sflag:s23], $0x1  }
0xa3: {  	[sflag:s23] =	ssyncset.done $0x0  }
0xa4: {  	s25 =	simm.s32 $0x1B8E;
	s24 =	sld [smem:$0x3FFE];
	[sflag:s23] =	ssyncadd.s32 $0xFFFFFFFF  }
0xa5: {  	s26 =	simm.s32 $execute0_lowered;
	[smem:$0x3FD2] =	sst s25  }
0xa6: {  	s5 =	sshll.u32 s26, $0x1;
	_ =	strace $0x80000046;
	[dreg:$0x1] =	wrdreg $0xFFFFFFFF  }
0xa7: {  	s28 =	simm.s32 $_size_execute0_lowered;
	s3 =	sadd.s32 s3, s5;
	[dreg:$0x0] =	wrdreg $0x0  }
0xa8: {  	s5 =	sshll.u32 s28, $0x1;
	[dreg:$0x2] =	wrdreg s3  }
0xa9: {  	[dreg:$0x3] =	wrdreg s5  }
0xaa: {  	[dreg:$0x4] =	wrdreg $0xC0  }
0xab: {  	_ =	task [dreg:s7], $0x5FFFF  }
0xac: {  	[dreg:$0x1] =	wrdreg $0xFFFFFFFF  }
0xad: {  	[dreg:$0x0] =	wrdreg $0x60  }
0xae: {  	[dreg:$0x2] =	wrdreg s24  }
0xaf: {  	[dreg:$0x3] =	wrdreg s2  }
0xb0: {  	[dreg:$0x4] =	wrdreg $0x9  }
0xb1: {  	_ =	task.clear_ibuf [dreg:s7], $0x5FFFF;
	_ =	strace $0x90000046  }
0xb2: {  	s29 =	simm.s32 $0x9;
	_ =	strace $0x80000048  }
0xb3: {  	_ =	swait.ge [sflag:s29], $0x1  }
0xb4: {  	[sflag:s29] =	ssyncadd.s32 $0xFFFFFFFF  }
0xb5: {  	_ =	strace $0x90000048  }
0xb6: {  	_ =	sfence  }
0xb7: {  	s30 =	sld [smem:$0x0];
	_ =	sdelay $0x2  }
0xb8: {  	s31 =	sshll.u32 s1, $0xD;
	s1 =	sshrl.u32 s1, $0x2  }
0xb9: {  	s3 =	sand.u32 $0x4000, s31;
	s1 =	sadd.s32 s1, s30  }
0xba: {  	s0 =	sor.u32 s3, s0;
	s1 =	sshll.u32 s1, $0x11  }
0xbb: {  	s0 =	sor.u32 s1, s0  }
0xbc: {  	s0 =	sadd.s32 $0x8F2B, s0  }
0xbd: {  	[sflag:s0] =	ssyncadd.remote.s32 $0x1  }
0xbe: {  	_ =	sfence.sel $0xFFFF  }
0xbf: {  	[dreg:$0x0] =	wrdreg $0xFFFFFFFF;
	(pc) =	sbr.abs _section_cstart, $3  }
0xc0: {  	[dreg:$0x1] =	wrdreg $0xFFFFFFFF  }
0xc1: {  	_ =	task.clear_ibuf [dreg:s7], $0x2FFFF;
	_ =	strace $0x9FFFFFFF  }
0xc2: {  	(tm) =	ssettm $0x7FFFFFFF  }
0xc3: {  	_ =	shalt  }
tec
execute0_lowered:
.L_overlay_start_1:
0x0: {  	(tag) =	ssettag $0x1  }
0x1: {  	vm14 =	vcmask $0x300  }
0x2: {  	v0 =	vimm.s32 $0x1B80;
	vm13 =	vcmask $0x704;
	vm12 =	vcmask $0xB08  }
0x3: {  	vm11 =	vcmask $0xF0C;
	vm10 =	vcmask $0x1310;
	vm9 =	vcmask $0x1714  }
0x4: {  	vm8 =	vcmask $0x1B18;
	vm7 =	vcmask $0x1F1C;
	vm6 =	vcmask $0x2320  }
0x5: {  	vm5 =	vcmask $0x2724;
	vm4 =	vcmask $0x2B28;
	vm3 =	vcmask $0x2F2C  }
0x6: {  	vm2 =	vcmask $0x3330;
	vm1 =	vcmask $0x3734;
	vm0 =	vcmask $0x3B38  }
0x7: {  	v6 =	vimm.f32 $1.000000000e+00;
	v7 =	vimm.s32 $0x4B80;
	v8 =	vimm.s32 $0x7B80  }
0x8: {  	v9 =	vimm.s32 $0xAB80;
	v0 =	vsel vm14, $0x0, v0;
	v7 =	vsel vm14, $0x3000, v7  }
0x9: {  	v8 =	vsel vm14, $0x6000, v8;
	v9 =	vsel vm14, $0x9000, v9;
	v0 =	vsel vm13, $0x80, v0  }
0xa: {  	v7 =	vsel vm13, $0x3080, v7;
	v8 =	vsel vm13, $0x6080, v8;
	v9 =	vsel vm13, $0x9080, v9  }
0xb: {  	v0 =	vsel vm12, $0x100, v0;
	v7 =	vsel vm12, $0x3100, v7;
	v8 =	vsel vm12, $0x6100, v8  }
0xc: {  	v9 =	vsel vm12, $0x9100, v9;
	v0 =	vsel vm11, $0x180, v0;
	v7 =	vsel vm11, $0x3180, v7  }
0xd: {  	v8 =	vsel vm11, $0x6180, v8;
	v9 =	vsel vm11, $0x9180, v9;
	v0 =	vsel vm10, $0x200, v0  }
0xe: {  	v7 =	vsel vm10, $0x3200, v7;
	v8 =	vsel vm10, $0x6200, v8;
	v9 =	vsel vm10, $0x9200, v9  }
0xf: {  	v0 =	vsel vm9, $0x280, v0;
	v7 =	vsel vm9, $0x3280, v7;
	v8 =	vsel vm9, $0x6280, v8  }
0x10: {  	v9 =	vsel vm9, $0x9280, v9;
	v0 =	vsel vm8, $0x300, v0;
	v7 =	vsel vm8, $0x3300, v7  }
0x11: {  	v8 =	vsel vm8, $0x6300, v8;
	v9 =	vsel vm8, $0x9300, v9;
	v0 =	vsel vm7, $0x380, v0  }
0x12: {  	v7 =	vsel vm7, $0x3380, v7;
	v8 =	vsel vm7, $0x6380, v8;
	v9 =	vsel vm7, $0x9380, v9  }
0x13: {  	v0 =	vsel vm6, $0x1800, v0;
	v7 =	vsel vm6, $0x4800, v7;
	v8 =	vsel vm6, $0x7800, v8  }
0x14: {  	v9 =	vsel vm6, $0xA800, v9;
	v1 =	vsel vm5, $0x1880, v0;
	v0 =	vimm.f32 $0.0e+00  }
0x15: {  	s5 =	rddreg [dreg:$0x0];
	v7 =	vsel vm5, $0x4880, v7;
	v8 =	vsel vm5, $0x7880, v8;
	v9 =	vsel vm5, $0xA880, v9  }
0x16: {  	s1 =	rddreg [dreg:$0x1];
	v2 =	vsel vm4, $0x1900, v1;
	v1 =	vlaneseq.u32;
	v7 =	vsel vm4, $0x4900, v7  }
0x17: {  	s0 =	rddreg [dreg:$0x2];
	v8 =	vsel vm4, $0x7900, v8;
	v9 =	vsel vm4, $0xA900, v9;
	v3 =	vsel vm3, $0x1980, v2  }
0x18: {  	s2 =	simm.s32 $0x0;
	s3 =	srdreg.scid;
	s9 =	simm.s32 $0x1;
	v2 =	vmul.u32 $0xFFFFFFFF, v1;
	v7 =	vsel vm3, $0x4980, v7;
	v8 =	vsel vm3, $0x7980, v8  }
0x19: {  	s10 =	simm.s32 $0x0;
	[smem:$0x7FF] =	sst s2;
	s6 =	sand.u32 $0x1, s3;
	v9 =	vsel vm3, $0xA980, v9;
	v4 =	vsel vm2, $0x1A00, v3;
	v3 =	vimm.s32 $0x0  }
0x1a: {  	s4 =	sadd.s32 $0x400, s5;
	s3 =	stileid.u32;
	s7 =	ssub.s32 $0x2, s6;
	v7 =	vsel vm2, $0x4A00, v7;
	v8 =	vsel vm2, $0x7A00, v8;
	v9 =	vsel vm2, $0xAA00, v9  }
0x1b: {  	s5 =	sadd.s32 $0x1400, s5;
	_ =	strace $0x80000047;
	s8 =	sshrl.u32 s7, $0x1;
	v5 =	vsel vm1, $0x1A80, v4;
	v4 =	vadd.s32 $0x6, v1;
	v7 =	vsel vm1, $0x4A80, v7  }
0x1c: {  	s31 =	sshll.u32 s3, $0xB;
	s6 =	sshll.u32 s6, $0xA;
	s7 =	ssub.s32 s7, s8;
	v8 =	vsel vm1, $0x7A80, v8;
	v9 =	vsel vm1, $0xAA80, v9;
	v5 =	vsel vm0, $0x1B00, v5  }
0x1d: {  	s6 =	sor.u32 s6, s31;
	s8 =	simm.s32 $0xC000;
	s7 =	smax.u32 s7, $0x1;
	v7 =	vsel vm0, $0x4B00, v7;
	v8 =	vsel vm0, $0x7B00, v8;
	v9 =	vsel vm0, $0xAB00, v9  }
.LBB2_1:
0x1e: {  	s12 =	simm.s32 $0x0  }
.LBB2_2:
0x1f: {  	s11 =	sshrl.u32 s12, $0x3  }
0x20: {  	s11 =	smul.u32 $0x6000, s11  }
0x21: {  	s13 =	sshll.u32 s12, $0x7  }
0x22: {  	s13 =	sand.u32 $0x380, s13;
	s14 =	sshra.s32 s11, $0x2;
	s11 =	simm.s32 $0x0  }
0x23: {  	s13 =	sor.u32 s13, s14;
	s31 =	sand.u32 $0x1C00, s11  }
0x24: {  	s15 =	sand.u32 $0x70, s11;
	s16 =	sadd.s32 s31, s13  }
0x25: {  	s14 =	simm.s32 $0x10;
	s15 =	sadd.s32 s15, s16  }
.LBB2_3:
0x26: {  	p0 =	sne.s32 s14, $0x2F0  }
0x27: {  	[tilespmem:s15+$0x0] =	vst v0;
	s11 =	sadd.s32 $0x80, s11;
	s15 =	smov.u32 s14;
	s14 =	sadd.s32 $0x10, s14  }
.Ltmp0:
0x28: {  	(pc) =	sbr.rel @p0 .LBB2_3-.Ltmp0, $4  }
0x29: {  	_ = 	snop  }
0x2a: {  	s16 =	sand.u32 $0x1C00, s11  }
0x2b: {  	s15 =	sand.u32 $0x70, s15;
	s16 =	sadd.s32 s16, s13  }
0x2c: {  	s15 =	sadd.s32 s15, s16  }
0x2d: {  	s12 =	sadd.s32 $0x1, s12  }
0x2e: {  	p0 =	sne.s32 s12, $0x40  }
.Ltmp1:
0x2f: {  	_ = 	snop;
	(pc) =	sbr.rel @p0 .LBB2_2-.Ltmp1, $2  }
0x30: {  	_ =	sdelay $0x2  }
0x31: {  	[tilespmem:s15+$0x0] =	vst v0;
	s11 =	simm.s32 $0x0  }
0x32: {  	s12 =	simm.s32 $0x0  }
.LBB2_6:
0x33: {  	v10 =	vor.u32 s11, v1  }
0x34: {  	v10 =	vmulhi.u32 $0xCCCCCCCD, v10;
	_ =	sdelay $0x1  }
0x35: {  	v10 =	vshrl.u32 v10, $0x3  }
0x36: {  	v11 =	vmov s11;
	v12 =	vmul.u32 $0xFFFFFFF6, v10  }
0x37: {  	s13 =	sshll.u32 s12, $0x6;
	v13 =	vsub.s32 v2, v11  }
0x38: {  	s17 =	simm.s32 $0x10;
	s15 =	sadd.s32 s6, s13;
	vm0 =	veq.s32 v11, v1;
	vm1 =	vne.s32 v12, v13  }
0x39: {  	v11 =	vor.u32 s17, v1;
	s13 =	sshrl.u32 s15, $0x3;
	vm0 =	vmand vm0, vm1  }
0x3a: {  	v11 =	vmulhi.u32 $0xCCCCCCCD, v11;
	s14 =	sadd.s32 s4, s13;
	v12 =	vsel vm0, $0xFFFFFFFF, v3  }
0x3b: {  	[tilespmem:s8], [sflag:$0x1] =	stream.linear.gather [hbm4b:s14+s11], $0x40, $0x38;
	v10 =	vadd.s32 v12, v10;
	[tilespmem:$0xC300] =	vst v63  }
0x3c: {  	s14 =	simm.s32 $0x20;
	v11 =	vshrl.u32 v11, $0x3;
	v13 =	vmul.u32 $0xFFFFFFF6, v10  }
0x3d: {  	s15 =	smul.u32 $0xA, s15;
	v14 =	vor.u32 s14, v1;
	v15 =	vmul.u32 $0xFFFFFFF6, v11;
	v12 =	vmov s17  }
0x3e: {  	_ =	swait.ge [sflag:s9], $0x40;
	v14 =	vmulhi.u32 $0xCCCCCCCD, v14;
	vm12 =	veq.s32 v12, v1;
	v13 =	vadd.s32 s11, v13  }
0x3f: {  	s15 =	sshrl.u32 s15, $0x3;
	[sflag:s9] =	ssyncset.done $0x0;
	v12 =	vsub.s32 v2, v12;
	v16 =	vshrl.u32 v10, $0x3;
	v13 =	vadd.s32 v4, v13  }
0x40: {  	s16 =	simm.s32 $0xC080;
	s15 =	sadd.s32 s5, s15;
	[sflag:s9] =	ssyncadd.s32 $0xFFFFFFC0;
	vm13 =	vne.s32 v15, v12;
	v12 =	vmul.u32 $0x1800, v16;
	v15 =	vshll.u32 v13, $0x3  }
0x41: {  	[tilespmem:s16], [sflag:$0x1] =	stream.linear.gather [hbm4b:s15+s11], $0x280, $0x38;
	v10 =	vshll.u32 v10, $0x7;
	vm0 =	vmand vm12, vm13;
	v15 =	vand.u32 $0xFFFFFC00, v15;
	[tilespmem:$0xC300] =	vst v63  }
0x42: {  	_ =	swait.ge [sflag:s9], $0x280;
	v10 =	vand.u32 $0x380, v10;
	v16 =	vsel vm0, $0xFFFFFFFF, v3;
	v12 =	vadd.s32 v12, v15  }
0x43: {  	[sflag:s9] =	ssyncset.done $0x0;
	v15 =	vadd.s32 v16, v11;
	v11 =	vand.u32 $0x7F, v13;
	v10 =	vor.u32 v10, v12  }
0x44: {  	s15 =	simm.s32 $0x30;
	[sflag:s9] =	ssyncadd.s32 $0xFFFFFD80;
	v12 =	vmov s14;
	v13 =	vmul.u32 $0xFFFFFFF6, v15;
	v16 =	vor.u32 v11, v10  }
0x45: {  	v17 =	vld [tilespmem:s16+$0x0];
	v11 =	vor.u32 s15, v1;
	v10 =	vshrl.u32 v14, $0x3;
	vm14 =	veq.s32 v12, v1  }
0x46: {  	v18 =	vsub.s32 v2, v12;
	v14 =	vmul.u32 $0xFFFFFFF6, v10;
	v12 =	vadd.s32 s17, v13  }
0x47: {  	v11 =	vmulhi.u32 $0xCCCCCCCD, v11;
	v13 =	vshrl.u32 v15, $0x3;
	v12 =	vadd.s32 v4, v12  }
0x48: {  	v13 =	vmul.u32 $0x1800, v13;
	vm15 =	vne.s32 v14, v18;
	v14 =	vshll.u32 v12, $0x3  }
0x49: {  	v15 =	vshll.u32 v15, $0x7;
	vm0 =	vmand vm14, vm15;
	v63 =	vand.u32 $0xFFFFFC00, v14  }
0x4a: {  	s17 =	simm.s32 $0x40;
	v15 =	vand.u32 $0x380, v15;
	[tilespmem:v16+s2+$0x0] =	vst.idx.msk $0xffff, v17;
	v14 =	vsel vm0, $0xFFFFFFFF, v3;
	v13 =	vadd.s32 v13, v63  }
.LBB2_7:
0x4b: {  	p0 =	sne.s32 s17, $0x270;
	v14 =	vadd.s32 v14, v10;
	v10 =	vand.u32 $0x7F, v12;
	v12 =	vor.u32 v15, v13;
	s16 =	sadd.s32 $0x10, s16  }
0x4c: {  	v13 =	vmov s15;
	v15 =	vmul.u32 $0xFFFFFFF6, v14;
	v16 =	vld [tilespmem:s16+$0x0];
	v17 =	vor.u32 v10, v12  }
0x4d: {  	v12 =	vor.u32 s17, v1;
	v10 =	vshrl.u32 v11, $0x3;
	vm0 =	veq.s32 v13, v1  }
.Ltmp2:
0x4e: {  	v13 =	vsub.s32 v2, v13;
	v18 =	vmul.u32 $0xFFFFFFF6, v10;
	v15 =	vadd.s32 s14, v15;
	s14 =	smov.u32 s15;
	s15 =	smov.u32 s17;
	(pc) =	sbr.rel @p0 .LBB2_7-.Ltmp2, $4  }
0x4f: {  	v11 =	vmulhi.u32 $0xCCCCCCCD, v12;
	v12 =	vadd.s32 v4, v15;
	v15 =	vshrl.u32 v14, $0x3  }
0x50: {  	vm1 =	vne.s32 v18, v13;
	v13 =	vmul.u32 $0x1800, v15;
	v15 =	vshll.u32 v12, $0x3  }
0x51: {  	v18 =	vshll.u32 v14, $0x7;
	vm0 =	vmand vm0, vm1;
	v15 =	vand.u32 $0xFFFFFC00, v15;
	[tilespmem:v17+s2+$0x0] =	vst.idx.msk $0xffff, v16  }
0x52: {  	s17 =	sadd.s32 $0x10, s17;
	v14 =	vsel vm0, $0xFFFFFFFF, v3;
	v13 =	vadd.s32 v13, v15;
	v15 =	vand.u32 $0x380, v18  }
0x53: {  	v10 =	vadd.s32 v14, v10  }
0x54: {  	v12 =	vand.u32 $0x7F, v12;
	v13 =	vor.u32 v15, v13;
	v11 =	vshrl.u32 v11, $0x3  }
0x55: {  	v49 =	vmov s15;
	v50 =	vmul.u32 $0xFFFFFFF6, v10;
	v16 =	vmul.u32 $0xFFFFFFF6, v11  }
0x56: {  	s16 =	sadd.s32 $0x10, s16;
	v12 =	vor.u32 v12, v13;
	v51 =	vsub.s32 v2, v49  }
0x57: {  	v17 =	vld [tilespmem:s16+$0x0];
	vm0 =	veq.s32 v49, v1;
	v52 =	vadd.s32 s14, v50;
	vm1 =	vne.s32 v16, v51  }
0x58: {  	v54 =	vshrl.u32 v10, $0x3;
	v53 =	vadd.s32 v4, v52;
	vm0 =	vmand vm0, vm1  }
0x59: {  	v14 =	vmul.u32 $0x1800, v54;
	v55 =	vshll.u32 v53, $0x3;
	v56 =	vsel vm0, $0xFFFFFFFF, v3  }
0x5a: {  	v10 =	vshll.u32 v10, $0x7;
	v15 =	vand.u32 $0xFFFFFC00, v55;
	v11 =	vadd.s32 v56, v11  }
0x5b: {  	v10 =	vand.u32 $0x380, v10;
	v14 =	vadd.s32 v14, v15;
	v57 =	vmul.u32 $0xFFFFFFF6, v11  }
0x5c: {  	s31 =	sadd.s32 $0x10, s16;
	v58 =	vand.u32 $0x7F, v53;
	[tilespmem:v12+s2+$0x0] =	vst.idx.msk $0xffff, v17;
	v10 =	vor.u32 v10, v14  }
0x5d: {  	v59 =	vld [tilespmem:s31+$0x0];
	v10 =	vor.u32 v58, v10;
	v60 =	vadd.s32 s15, v57  }
0x5e: {  	v61 =	vshrl.u32 v11, $0x3;
	v12 =	vadd.s32 v4, v60  }
0x5f: {  	v14 =	vmul.u32 $0x1800, v61;
	v62 =	vshll.u32 v12, $0x3  }
0x60: {  	v11 =	vshll.u32 v11, $0x7;
	v15 =	vand.u32 $0xFFFFFC00, v62  }
0x61: {  	v11 =	vand.u32 $0x380, v11;
	v14 =	vadd.s32 v14, v15  }
0x62: {  	s14 =	sadd.s32 $0x10, s31;
	[tilespmem:v10+s2+$0x0] =	vst.idx.msk $0xffff, v59;
	v10 =	vand.u32 $0x7F, v12;
	v11 =	vor.u32 v11, v14  }
0x63: {  	v63 =	vld [tilespmem:s14+$0x0];
	v10 =	vor.u32 v10, v11;
	_ =	sdelay $0x4  }
0x64: {  	[tilespmem:v10+s2+$0x0] =	vst.idx.msk $0xffff, v63  }
0x65: {  	v10 =	vld [tilespmem:$0xC000];
	_ =	sdelay $0x4  }
0x66: {  	v11 =	vshll.u32 v10, $0x3  }
0x67: {  	v10 =	vand.u32 $0x7F, v10;
	v11 =	vand.u32 $0xFFFFFC00, v11  }
0x68: {  	v10 =	vor.u32 v10, v11  }
0x69: {  	v10 =	vadd.s32 v5, v10;
	_ =	sdelay $0x4  }
0x6a: {  	[tilespmem:v10+s2+$0x0] =	vst.idx.msk $0xffff, v6  }
0x6b: {  	v10 =	vld [tilespmem:$0xC010];
	_ =	sdelay $0x4  }
0x6c: {  	v11 =	vshll.u32 v10, $0x3  }
0x6d: {  	v10 =	vand.u32 $0x7F, v10;
	v11 =	vand.u32 $0xFFFFFC00, v11  }
0x6e: {  	v10 =	vor.u32 v10, v11  }
0x6f: {  	v10 =	vadd.s32 v7, v10;
	_ =	sdelay $0x4  }
0x70: {  	[tilespmem:v10+s2+$0x0] =	vst.idx.msk $0xffff, v6  }
0x71: {  	v10 =	vld [tilespmem:$0xC020];
	_ =	sdelay $0x4  }
0x72: {  	v11 =	vshll.u32 v10, $0x3  }
0x73: {  	v10 =	vand.u32 $0x7F, v10;
	v11 =	vand.u32 $0xFFFFFC00, v11  }
0x74: {  	v10 =	vor.u32 v10, v11  }
0x75: {  	v10 =	vadd.s32 v8, v10;
	_ =	sdelay $0x4  }
0x76: {  	[tilespmem:v10+s2+$0x0] =	vst.idx.msk $0xffff, v6  }
0x77: {  	v10 =	vld [tilespmem:$0xC030];
	_ =	sdelay $0x4  }
0x78: {  	v11 =	vshll.u32 v10, $0x3  }
0x79: {  	v10 =	vand.u32 $0x7F, v10;
	v11 =	vand.u32 $0xFFFFFC00, v11  }
0x7a: {  	v10 =	vor.u32 v10, v11  }
0x7b: {  	v10 =	vadd.s32 v9, v10;
	_ =	sdelay $0x2  }
0x7c: {  	s13 =	smul.u32 $0x300, s13;
	_ =	sdelay $0x1  }
0x7d: {  	s13 =	sadd.s32 s1, s13;
	[tilespmem:v10+s2+$0x0] =	vst.idx.msk $0xffff, v6  }
0x7e: {  	[hbm4b:s13+s2] =	stream.linear.scatter [tilespmem:s2], [sflag:$0x1], $0xC000, $0x38;
	[tilespmem:$0xC300] =	vst v63  }
0x7f: {  	_ =	swait.ge [sflag:s9], $0xC000  }
0x80: {  	[sflag:s9] =	ssyncset.done $0x0  }
0x81: {  	[sflag:s9] =	ssyncadd.s32 $0xFFFF4000  }
0x82: {  	v10 =	vld [tilespmem:$0xC000];
	_ =	sdelay $0x4  }
0x83: {  	v11 =	vshll.u32 v10, $0x3  }
0x84: {  	v10 =	vand.u32 $0x7F, v10;
	v11 =	vand.u32 $0xFFFFFC00, v11  }
0x85: {  	v10 =	vor.u32 v10, v11  }
0x86: {  	v10 =	vadd.s32 v5, v10;
	_ =	sdelay $0x4  }
0x87: {  	[tilespmem:v10+s2+$0x0] =	vst.idx.msk $0xffff, v0  }
0x88: {  	v10 =	vld [tilespmem:$0xC010];
	_ =	sdelay $0x4  }
0x89: {  	v11 =	vshll.u32 v10, $0x3  }
0x8a: {  	v10 =	vand.u32 $0x7F, v10;
	v11 =	vand.u32 $0xFFFFFC00, v11  }
0x8b: {  	v10 =	vor.u32 v10, v11  }
0x8c: {  	v10 =	vadd.s32 v7, v10;
	_ =	sdelay $0x4  }
0x8d: {  	[tilespmem:v10+s2+$0x0] =	vst.idx.msk $0xffff, v0  }
0x8e: {  	v10 =	vld [tilespmem:$0xC020];
	_ =	sdelay $0x4  }
0x8f: {  	v11 =	vshll.u32 v10, $0x3  }
0x90: {  	v10 =	vand.u32 $0x7F, v10;
	v11 =	vand.u32 $0xFFFFFC00, v11  }
0x91: {  	v10 =	vor.u32 v10, v11  }
0x92: {  	v10 =	vadd.s32 v8, v10;
	_ =	sdelay $0x4  }
0x93: {  	[tilespmem:v10+s2+$0x0] =	vst.idx.msk $0xffff, v0  }
0x94: {  	v10 =	vld [tilespmem:$0xC030];
	_ =	sdelay $0x4  }
0x95: {  	v11 =	vshll.u32 v10, $0x3  }
0x96: {  	v10 =	vand.u32 $0x7F, v10;
	v11 =	vand.u32 $0xFFFFFC00, v11  }
0x97: {  	s12 =	sadd.s32 $0x1, s12;
	v10 =	vor.u32 v10, v11  }
0x98: {  	p0 =	sne.s32 s12, $0x10;
	v10 =	vadd.s32 v9, v10  }
.Ltmp3:
0x99: {  	_ = 	snop;
	(pc) =	sbr.rel @p0 .LBB2_6-.Ltmp3, $2  }
0x9a: {  	_ =	sdelay $0x2  }
0x9b: {  	[tilespmem:v10+s2+$0x0] =	vst.idx.msk $0xffff, v0  }
0x9c: {  	s10 =	sadd.s32 $0x1, s10  }
0x9d: {  	p0 =	sne.s32 s10, s7  }
.Ltmp4:
0x9e: {  	_ = 	snop;
	(pc) =	sbr.rel @p0 .LBB2_1-.Ltmp4, $1  }
0x9f: {  	_ =	sdelay $0x3  }
0xa0: {  	_ =	sfence.sel $0x180000  }
0xa1: {  	[bflag:$0x0] =	sbarrier.arrive $0xFFFF  }
0xa2: {  	p0 =	sne.s32 s3, $0x0;
	_ =	strace $0x90000047  }
0xa3: {  	s0 =	sadd.s32 @!p0 $0x100000, s0;
	[bflag:$0x2] =	sbarrier.arrive $0xFFFF  }
0xa4: {  	[sflag:s0] =	ssyncadd.tile.s32 @!p0 $0x1;
	_ =	shalt  }
.Lfunc_end2:
_tile_overlayer_lowered:
.L_overlay_start_2:
0xa5: {  	(tag) =	ssettag $0x2  }
0xa6: {  	s0 =	rddreg [dreg:$0x0];
	s2 =	stileid.u32  }
0xa7: {  	s1 =	rddreg [dreg:$0x1];
	p0 =	sne.s32 s2, $0x0  }
0xa8: {  	s3 =	rddreg [dreg:$0x2];
	[bflag:$0x3] =	sbarrier.arrive $0xFFFF;
	s2 =	simm.s32 @!p0 $0x1C01  }
0xa9: {  	[timem:s3], [sflag:s2] =	dma.local @!p0 [hbm:s0], s1  }
0xaa: {  	s0 =	simm.s32 @!p0 $0x1  }
0xab: {  	_ =	swait.ge @!p0 [sflag:s0], s1  }
0xac: {  	s1 =	ssub.s32 @!p0 $0x0, s1;
	[sflag:s0] =	ssyncset.done @!p0 $0x0  }
0xad: {  	[sflag:s0] =	ssyncadd.s32 @!p0 s1  }
0xae: {  	[bflag:$0x3] =	sbarrier.arrive $0xFFFF  }
0xaf: {  	_ =	shalt  }

</sc_bundles>
